<compile_context>
chip_gen: v7x
topology: tpu7x:2x2x1
jax: 0.10.2.dev20260603
libtpu: 0.0.44.dev20260713+nightly
codegen_flags: <defaults>
</compile_context>

<pallas_src>
import functools

import jax
import jax.numpy as jnp
from jax import lax
from jax.experimental import pallas as pl
from jax.experimental.pallas import tpu as pltpu
from jax.experimental.pallas import tpu_sc as plsc

N_NODES = 10000
N_EDGES = 320000
D = 128

NUM_CORES = 2
NUM_SUBCORES = 16
NW = NUM_CORES * NUM_SUBCORES
E_PER_W = N_EDGES // NW
CHUNK = 80
NCHUNK = 125

ACC_ROWS = N_NODES
R_PER_T = 624
R_TAIL = N_NODES - R_PER_T * NUM_SUBCORES
TAIL_OFF = R_PER_T * NUM_SUBCORES


def _sc_aggregate(x, ei, zeros):
    mesh = plsc.VectorSubcoreMesh(core_axis_name="c", subcore_axis_name="s")

    @functools.partial(
        pl.kernel,
        mesh=mesh,
        out_type=jax.ShapeDtypeStruct((NUM_CORES, N_NODES, D), jnp.float32),
        scratch_types=[
            pltpu.VMEM((E_PER_W,), jnp.int32),
            pltpu.VMEM((E_PER_W,), jnp.int32),
            pltpu.VMEM((CHUNK, D), jnp.float32),
            pltpu.VMEM((CHUNK, D), jnp.float32),
            pltpu.VMEM_SHARED((ACC_ROWS, D), jnp.float32),
            pltpu.SemaphoreType.DMA,
            pltpu.SemaphoreType.DMA,
            pltpu.SemaphoreType.DMA,
        ],
        compiler_params=pltpu.CompilerParams(use_tc_tiling_on_sc=False),
    )
    def agg_kernel(x_hbm, ei_hbm, zeros_hbm, out_hbm,
                   src_v, dst_v, rows0, rows1, agg_sh, sem0, sem1, semi):
        c = lax.axis_index("c")
        s = lax.axis_index("s")
        wid = c * NUM_SUBCORES + s

        @pl.when(c == 0)
        def _():
            pltpu.async_copy(x_hbm.at[pl.ds(s * R_PER_T, R_PER_T)],
                             agg_sh.at[pl.ds(s * R_PER_T, R_PER_T)], semi)

            @pl.when(s == NUM_SUBCORES - 1)
            def _():
                pltpu.async_copy(x_hbm.at[pl.ds(TAIL_OFF, R_TAIL)],
                                 agg_sh.at[pl.ds(TAIL_OFF, R_TAIL)], semi)

        @pl.when(c != 0)
        def _():
            pltpu.async_copy(zeros_hbm,
                             agg_sh.at[pl.ds(s * R_PER_T, R_PER_T)], semi)

            @pl.when(s == NUM_SUBCORES - 1)
            def _():
                pltpu.async_copy(zeros_hbm.at[pl.ds(0, R_TAIL)],
                                 agg_sh.at[pl.ds(TAIL_OFF, R_TAIL)], semi)

        pltpu.sync_copy(ei_hbm.at[0, pl.ds(wid * E_PER_W, E_PER_W)], src_v)
        pltpu.sync_copy(ei_hbm.at[1, pl.ds(wid * E_PER_W, E_PER_W)], dst_v)
        pltpu.async_copy(x_hbm.at[src_v.at[pl.ds(0, CHUNK)]], rows0, sem0)

        @pl.when(c == 0)
        def _():
            pltpu.make_async_copy(
                x_hbm.at[pl.ds(s * R_PER_T, R_PER_T)],
                agg_sh.at[pl.ds(s * R_PER_T, R_PER_T)], semi).wait()

            @pl.when(s == NUM_SUBCORES - 1)
            def _():
                pltpu.make_async_copy(
                    x_hbm.at[pl.ds(TAIL_OFF, R_TAIL)],
                    agg_sh.at[pl.ds(TAIL_OFF, R_TAIL)], semi).wait()

        @pl.when(c != 0)
        def _():
            pltpu.make_async_copy(
                zeros_hbm, agg_sh.at[pl.ds(s * R_PER_T, R_PER_T)], semi).wait()

            @pl.when(s == NUM_SUBCORES - 1)
            def _():
                pltpu.make_async_copy(
                    zeros_hbm.at[pl.ds(0, R_TAIL)],
                    agg_sh.at[pl.ds(TAIL_OFF, R_TAIL)], semi).wait()

        plsc.subcore_barrier()

        def src_at(i):
            return src_v.at[pl.ds(i * CHUNK, CHUNK)]

        def dst_at(i):
            return dst_v.at[pl.ds(i * CHUNK, CHUNK)]

        def pair_body(j, carry):
            i = 2 * j
            pltpu.async_copy(x_hbm.at[src_at(i + 1)], rows1, sem1)
            pltpu.make_async_copy(x_hbm.at[src_at(i)], rows0, sem0).wait()
            pltpu.sync_copy(rows0, agg_sh.at[dst_at(i)], add=True)
            pltpu.async_copy(x_hbm.at[src_at(i + 2)], rows0, sem0)
            pltpu.make_async_copy(x_hbm.at[src_at(i + 1)], rows1, sem1).wait()
            pltpu.sync_copy(rows1, agg_sh.at[dst_at(i + 1)], add=True)
            return carry

        lax.fori_loop(0, (NCHUNK - 1) // 2, pair_body, 0)

        last = NCHUNK - 1
        pltpu.make_async_copy(x_hbm.at[src_at(last)], rows0, sem0).wait()
        pltpu.sync_copy(rows0, agg_sh.at[dst_at(last)], add=True)

        plsc.subcore_barrier()

        pltpu.sync_copy(agg_sh.at[pl.ds(s * R_PER_T, R_PER_T)],
                        out_hbm.at[c, pl.ds(s * R_PER_T, R_PER_T)])

        @pl.when(s == NUM_SUBCORES - 1)
        def _():
            pltpu.sync_copy(agg_sh.at[pl.ds(TAIL_OFF, R_TAIL)],
                            out_hbm.at[c, pl.ds(TAIL_OFF, R_TAIL)])

    return agg_kernel(x, ei, zeros)


def _tc_mlp(parts, W1, b1, W2, b2):
    BR = 1000
    grid = N_NODES // BR

    def mlp_body(p_ref, w1_ref, b1_ref, w2_ref, b2_ref, o_ref):
        h = p_ref[0] + p_ref[1]
        h = jnp.dot(h, w1_ref[...], preferred_element_type=jnp.float32)
        h = jnp.maximum(h + b1_ref[...], 0.0)
        h = jnp.dot(h, w2_ref[...], preferred_element_type=jnp.float32)
        o_ref[...] = h + b2_ref[...]

    return pl.pallas_call(
        mlp_body,
        grid=(grid,),
        in_specs=[
            pl.BlockSpec((NUM_CORES, BR, D), lambda i: (0, i, 0)),
            pl.BlockSpec((D, D), lambda i: (0, 0)),
            pl.BlockSpec((1, D), lambda i: (0, 0)),
            pl.BlockSpec((D, D), lambda i: (0, 0)),
            pl.BlockSpec((1, D), lambda i: (0, 0)),
        ],
        out_specs=pl.BlockSpec((BR, D), lambda i: (i, 0)),
        out_shape=jax.ShapeDtypeStruct((N_NODES, D), jnp.float32),
    )(parts, W1, b1, W2, b2)


def kernel(x, edge_index, W1, b1, W2, b2):
    ei = edge_index.astype(jnp.int32)
    zeros = jnp.zeros((R_PER_T, D), jnp.float32)
    parts = _sc_aggregate(x, ei, zeros)
    return _tc_mlp(parts, W1.astype(jnp.float32), b1.reshape(1, D),
                   W2.astype(jnp.float32), b2.reshape(1, D))

# --- scband reference (transcript-rebuilt; emitter-appended) ---
"""Pipeline reference for scband-gin-79164837200027 (READ-ONLY COPY).

The authoritative reference and input builder live on the scoring server;
editing this copy changes nothing except your own understanding.
"""

import jax, jax.numpy as jnp
import numpy as np

N_NODES = 10000
N_EDGES = 320000
D_IN = 128
D_H = 128

def setup_inputs(seed: int = 0) -> dict:
    key = jax.random.key(seed)
    k1, k2, k3, k4, k5, k6 = jax.random.split(key, 6)
    x = jax.random.normal(k1, (N_NODES, D_IN), dtype=jnp.float32)
    edge_index = jax.random.randint(k2, (2, N_EDGES), 0, N_NODES, dtype=jnp.int64)
    s1 = 1.0 / np.sqrt(D_IN)
    s2 = 1.0 / np.sqrt(D_H)
    W1 = jax.random.uniform(k3, (D_IN, D_H), dtype=jnp.float32, minval=-s1, maxval=s1)
    b1 = jax.random.uniform(k4, (D_H,), dtype=jnp.float32, minval=-s1, maxval=s1)
    W2 = jax.random.uniform(k5, (D_H, D_H), dtype=jnp.float32, minval=-s2, maxval=s2)
    b2 = jax.random.uniform(k6, (D_H,), dtype=jnp.float32, minval=-s2, maxval=s2)
    return {"x": x, "edge_index": edge_index, "W1": W1, "b1": b1, "W2": W2, "b2": b2}

def reference(x, edge_index, W1, b1, W2, b2):
    # GINConv with aggregator_type='sum', eps=0 (DGL default, learn_eps=False):
    # h = MLP1((1 + eps) * x + sum_{j in N(i)} x_j)
    src = edge_index[0]
    dst = edge_index[1]
    msgs = jnp.take(x, src, axis=0)
    agg = jnp.zeros((x.shape[0], x.shape[1]), dtype=x.dtype).at[dst].add(msgs)
    h = x + agg  # (1 + 0) * x + agg
    h = jnp.dot(h, W1) + b1
    h = jax.nn.relu(h)
    h = jnp.dot(h, W2) + b2
    return h

if __name__ == "__main__":
    import jax
    _d = setup_inputs()
    print(jax.jit(kernel)(*tuple(_d.values())))

</pallas_src>

<mosaic_0001>
#map = affine_map<(d0, d1) -> (0, 0)>
#map1 = affine_map<(d0, d1) -> (0, 0, 0)>
module attributes {stable_mosaic.version = 14 : i64} {
  func.func @agg_kernel(%arg0: i32, %arg1: i32, %arg2: memref<10000x128xf32, #tpu.memory_space<hbm>>, %arg3: memref<2x320000xi32, #tpu.memory_space<hbm>>, %arg4: memref<624x128xf32, #tpu.memory_space<hbm>>, %arg5: memref<2x10000x128xf32, #tpu.memory_space<hbm>>, %arg6: memref<10000xi32, #tpu.memory_space<vmem>>, %arg7: memref<10000xi32, #tpu.memory_space<vmem>>, %arg8: memref<80x128xf32, #tpu.memory_space<vmem>>, %arg9: memref<80x128xf32, #tpu.memory_space<vmem>>, %arg10: memref<10000x128xf32, #tpu.memory_space<vmem_shared>>, %arg11: memref<!tpu.dma_semaphore, #tpu.memory_space<semaphore_mem>>, %arg12: memref<!tpu.dma_semaphore, #tpu.memory_space<semaphore_mem>>, %arg13: memref<!tpu.dma_semaphore, #tpu.memory_space<semaphore_mem>>) attributes {dimension_semantics = [#tpu.dimension_semantics<core_parallel>, #tpu.dimension_semantics<subcore_parallel>], iteration_bounds = array<i64: 2, 16>, scalar_prefetch = 0 : i64, scratch_operands = 8 : i64, tpu.core_type = #tpu.core_type<sc_vector_subcore>, window_params = [{transform_indices = #map}, {transform_indices = #map}, {transform_indices = #map}, {transform_indices = #map1}]} {
    %mul3A = arith.constant 16 : i32
    %mul3A_0 = arith.muli %arg0, %mul3A : i32
    %add3A = arith.addi %mul3A_0, %arg1 : i32
    %eq3A = arith.constant 0 : i32
    %eq3A_1 = arith.cmpi eq, %arg0, %eq3A : i32
    %convert_element_type3A = arith.extui %eq3A_1 : i1 to i32
    %cond3A = arith.constant 0 : i32
    %cond3A_2 = arith.cmpi ne, %convert_element_type3A, %cond3A : i32
    scf.if %cond3A_2 {
      %mul3A_45 = arith.constant 624 : i32
      %mul3A_46 = arith.muli %arg1, %mul3A_45 : i32
      %mul3A_47 = arith.constant 624 : i32
      %mul3A_48 = arith.muli %arg1, %mul3A_47 : i32
      %dma_start3A_49 = arith.constant 0 : i32
      %dma_start3A_50 = tpu.memref_slice %arg10[%mul3A_48, %dma_start3A_49] : memref<10000x128xf32, #tpu.memory_space<vmem_shared>> -> memref<624x128xf32, #tpu.memory_space<vmem_shared>>
      %dma_start3A_51 = arith.constant 0 : i32
      %dma_start3A_52 = tpu.memref_slice %arg2[%mul3A_46, %dma_start3A_51] : memref<10000x128xf32, #tpu.memory_space<hbm>> -> memref<624x128xf32, #tpu.memory_space<hbm>>
      tpu.enqueue_dma source(%dma_start3A_52 : memref<624x128xf32, #tpu.memory_space<hbm>>) target(%dma_start3A_50 : memref<624x128xf32, #tpu.memory_space<vmem_shared>>) target_semaphore(%arg13 : memref<!tpu.dma_semaphore, #tpu.memory_space<semaphore_mem>>)
      %eq3A_53 = arith.constant 15 : i32
      %eq3A_54 = arith.cmpi eq, %arg1, %eq3A_53 : i32
      %convert_element_type3A_55 = arith.extui %eq3A_54 : i1 to i32
      %cond3A_56 = arith.constant 0 : i32
      %cond3A_57 = arith.cmpi ne, %convert_element_type3A_55, %cond3A_56 : i32
      scf.if %cond3A_57 {
        %dma_start3A_58 = arith.constant 9984 : i32
        %dma_start3A_59 = arith.constant 0 : i32
        %dma_start3A_60 = tpu.memref_slice %arg10[%dma_start3A_58, %dma_start3A_59] : memref<10000x128xf32, #tpu.memory_space<vmem_shared>> -> memref<16x128xf32, #tpu.memory_space<vmem_shared>>
        %dma_start3A_61 = arith.constant 9984 : i32
        %dma_start3A_62 = arith.constant 0 : i32
        %dma_start3A_63 = tpu.memref_slice %arg2[%dma_start3A_61, %dma_start3A_62] : memref<10000x128xf32, #tpu.memory_space<hbm>> -> memref<16x128xf32, #tpu.memory_space<hbm>>
        tpu.enqueue_dma source(%dma_start3A_63 : memref<16x128xf32, #tpu.memory_space<hbm>>) target(%dma_start3A_60 : memref<16x128xf32, #tpu.memory_space<vmem_shared>>) target_semaphore(%arg13 : memref<!tpu.dma_semaphore, #tpu.memory_space<semaphore_mem>>)
      } else {
      }
    } else {
    }
    %ne3A = arith.constant 0 : i32
    %ne3A_3 = arith.cmpi ne, %arg0, %ne3A : i32
    %convert_element_type3A_4 = arith.extui %ne3A_3 : i1 to i32
    %cond3A_5 = arith.constant 0 : i32
    %cond3A_6 = arith.cmpi ne, %convert_element_type3A_4, %cond3A_5 : i32
    scf.if %cond3A_6 {
      %mul3A_45 = arith.constant 624 : i32
      %mul3A_46 = arith.muli %arg1, %mul3A_45 : i32
      %dma_start3A_47 = arith.constant 0 : i32
      %dma_start3A_48 = tpu.memref_slice %arg10[%mul3A_46, %dma_start3A_47] : memref<10000x128xf32, #tpu.memory_space<vmem_shared>> -> memref<624x128xf32, #tpu.memory_space<vmem_shared>>
      tpu.enqueue_dma source(%arg4 : memref<624x128xf32, #tpu.memory_space<hbm>>) target(%dma_start3A_48 : memref<624x128xf32, #tpu.memory_space<vmem_shared>>) target_semaphore(%arg13 : memref<!tpu.dma_semaphore, #tpu.memory_space<semaphore_mem>>)
      %eq3A_49 = arith.constant 15 : i32
      %eq3A_50 = arith.cmpi eq, %arg1, %eq3A_49 : i32
      %convert_element_type3A_51 = arith.extui %eq3A_50 : i1 to i32
      %cond3A_52 = arith.constant 0 : i32
      %cond3A_53 = arith.cmpi ne, %convert_element_type3A_51, %cond3A_52 : i32
      scf.if %cond3A_53 {
        %dma_start3A_54 = arith.constant 9984 : i32
        %dma_start3A_55 = arith.constant 0 : i32
        %dma_start3A_56 = tpu.memref_slice %arg10[%dma_start3A_54, %dma_start3A_55] : memref<10000x128xf32, #tpu.memory_space<vmem_shared>> -> memref<16x128xf32, #tpu.memory_space<vmem_shared>>
        %dma_start3A_57 = arith.constant 0 : i32
        %dma_start3A_58 = arith.constant 0 : i32
        %dma_start3A_59 = tpu.memref_slice %arg4[%dma_start3A_57, %dma_start3A_58] : memref<624x128xf32, #tpu.memory_space<hbm>> -> memref<16x128xf32, #tpu.memory_space<hbm>>
        tpu.enqueue_dma source(%dma_start3A_59 : memref<16x128xf32, #tpu.memory_space<hbm>>) target(%dma_start3A_56 : memref<16x128xf32, #tpu.memory_space<vmem_shared>>) target_semaphore(%arg13 : memref<!tpu.dma_semaphore, #tpu.memory_space<semaphore_mem>>)
      } else {
      }
    } else {
    }
    %mul3A_7 = arith.constant 10000 : i32
    %mul3A_8 = arith.muli %add3A, %mul3A_7 : i32
    %run_scoped3A = arith.constant 0 : i32
    "tpu.region"() ({
      %run_scoped3A_45 = tpu.sem_alloc : memref<!tpu.dma_semaphore, #tpu.memory_space<semaphore_mem>>
      %dma_start3A_46 = tpu.memref_slice %arg3[%run_scoped3A, %mul3A_8] : memref<2x320000xi32, #tpu.memory_space<hbm>> -> memref<1x10000xi32, #tpu.memory_space<hbm>>
      %dma_start3A_47 = tpu.memref_squeeze %dma_start3A_46 : memref<1x10000xi32, #tpu.memory_space<hbm>> -> memref<10000xi32, #tpu.memory_space<hbm>>
      %dma_start3A_48 = tpu.memref_slice %arg3[%run_scoped3A, %mul3A_8] : memref<2x320000xi32, #tpu.memory_space<hbm>> -> memref<1x10000xi32, #tpu.memory_space<hbm>>
      %dma_start3A_49 = tpu.memref_squeeze %dma_start3A_48 : memref<1x10000xi32, #tpu.memory_space<hbm>> -> memref<10000xi32, #tpu.memory_space<hbm>>
      tpu.enqueue_dma source(%dma_start3A_49 : memref<10000xi32, #tpu.memory_space<hbm>>) target(%arg6 : memref<10000xi32, #tpu.memory_space<vmem>>) target_semaphore(%run_scoped3A_45 : memref<!tpu.dma_semaphore, #tpu.memory_space<semaphore_mem>>)
      %dma_wait3A_50 = tpu.memref_slice %arg3[%run_scoped3A, %mul3A_8] : memref<2x320000xi32, #tpu.memory_space<hbm>> -> memref<1x10000xi32, #tpu.memory_space<hbm>>
      %dma_wait3A_51 = tpu.memref_squeeze %dma_wait3A_50 : memref<1x10000xi32, #tpu.memory_space<hbm>> -> memref<10000xi32, #tpu.memory_space<hbm>>
      %dma_wait3A_52 = tpu.memref_slice %arg3[%run_scoped3A, %mul3A_8] : memref<2x320000xi32, #tpu.memory_space<hbm>> -> memref<1x10000xi32, #tpu.memory_space<hbm>>
      %dma_wait3A_53 = tpu.memref_squeeze %dma_wait3A_52 : memref<1x10000xi32, #tpu.memory_space<hbm>> -> memref<10000xi32, #tpu.memory_space<hbm>>
      tpu.wait_dma2 semaphore(%run_scoped3A_45 : memref<!tpu.dma_semaphore, #tpu.memory_space<semaphore_mem>>) src(%dma_wait3A_53 : memref<10000xi32, #tpu.memory_space<hbm>>) dst(%arg6 : memref<10000xi32, #tpu.memory_space<vmem>>)
      tpu.yield
    }) : () -> ()
    %mul3A_9 = arith.constant 10000 : i32
    %mul3A_10 = arith.muli %add3A, %mul3A_9 : i32
    %run_scoped3A_11 = arith.constant 1 : i32
    "tpu.region"() ({
      %run_scoped3A_45 = tpu.sem_alloc : memref<!tpu.dma_semaphore, #tpu.memory_space<semaphore_mem>>
      %dma_start3A_46 = tpu.memref_slice %arg3[%run_scoped3A_11, %mul3A_10] : memref<2x320000xi32, #tpu.memory_space<hbm>> -> memref<1x10000xi32, #tpu.memory_space<hbm>>
      %dma_start3A_47 = tpu.memref_squeeze %dma_start3A_46 : memref<1x10000xi32, #tpu.memory_space<hbm>> -> memref<10000xi32, #tpu.memory_space<hbm>>
      %dma_start3A_48 = tpu.memref_slice %arg3[%run_scoped3A_11, %mul3A_10] : memref<2x320000xi32, #tpu.memory_space<hbm>> -> memref<1x10000xi32, #tpu.memory_space<hbm>>
      %dma_start3A_49 = tpu.memref_squeeze %dma_start3A_48 : memref<1x10000xi32, #tpu.memory_space<hbm>> -> memref<10000xi32, #tpu.memory_space<hbm>>
      tpu.enqueue_dma source(%dma_start3A_49 : memref<10000xi32, #tpu.memory_space<hbm>>) target(%arg7 : memref<10000xi32, #tpu.memory_space<vmem>>) target_semaphore(%run_scoped3A_45 : memref<!tpu.dma_semaphore, #tpu.memory_space<semaphore_mem>>)
      %dma_wait3A_50 = tpu.memref_slice %arg3[%run_scoped3A_11, %mul3A_10] : memref<2x320000xi32, #tpu.memory_space<hbm>> -> memref<1x10000xi32, #tpu.memory_space<hbm>>
      %dma_wait3A_51 = tpu.memref_squeeze %dma_wait3A_50 : memref<1x10000xi32, #tpu.memory_space<hbm>> -> memref<10000xi32, #tpu.memory_space<hbm>>
      %dma_wait3A_52 = tpu.memref_slice %arg3[%run_scoped3A_11, %mul3A_10] : memref<2x320000xi32, #tpu.memory_space<hbm>> -> memref<1x10000xi32, #tpu.memory_space<hbm>>
      %dma_wait3A_53 = tpu.memref_squeeze %dma_wait3A_52 : memref<1x10000xi32, #tpu.memory_space<hbm>> -> memref<10000xi32, #tpu.memory_space<hbm>>
      tpu.wait_dma2 semaphore(%run_scoped3A_45 : memref<!tpu.dma_semaphore, #tpu.memory_space<semaphore_mem>>) src(%dma_wait3A_53 : memref<10000xi32, #tpu.memory_space<hbm>>) dst(%arg7 : memref<10000xi32, #tpu.memory_space<vmem>>)
      tpu.yield
    }) : () -> ()
    %dma_start3A = arith.constant 0 : i32
    %dma_start3A_12 = tpu.memref_slice %arg6[%dma_start3A] : memref<10000xi32, #tpu.memory_space<vmem>> -> memref<80xi32, #tpu.memory_space<vmem>>
    %dma_start3A_13 = arith.constant 0 : i32
    %dma_start3A_14 = arith.constant 0 : i32
    %dma_start3A_15 = tpu.memref_slice %arg2[%dma_start3A_13, %dma_start3A_14] : memref<10000x128xf32, #tpu.memory_space<hbm>> -> memref<10000x128xf32, #tpu.memory_space<hbm>>
    tpu.enqueue_indirect_dma source(%dma_start3A_15 : memref<10000x128xf32, #tpu.memory_space<hbm>>) target(%arg8 : memref<80x128xf32, #tpu.memory_space<vmem>>) offsets(%dma_start3A_12 : memref<80xi32, #tpu.memory_space<vmem>>) semaphore(%arg11 : memref<!tpu.dma_semaphore, #tpu.memory_space<semaphore_mem>>)
    %eq3A_16 = arith.constant 0 : i32
    %eq3A_17 = arith.cmpi eq, %arg0, %eq3A_16 : i32
    %convert_element_type3A_18 = arith.extui %eq3A_17 : i1 to i32
    %cond3A_19 = arith.constant 0 : i32
    %cond3A_20 = arith.cmpi ne, %convert_element_type3A_18, %cond3A_19 : i32
    scf.if %cond3A_20 {
      %mul3A_45 = arith.constant 624 : i32
      %mul3A_46 = arith.muli %arg1, %mul3A_45 : i32
      %mul3A_47 = arith.constant 624 : i32
      %mul3A_48 = arith.muli %arg1, %mul3A_47 : i32
      %dma_wait3A_49 = arith.constant 0 : i32
      %dma_wait3A_50 = tpu.memref_slice %arg10[%mul3A_48, %dma_wait3A_49] : memref<10000x128xf32, #tpu.memory_space<vmem_shared>> -> memref<624x128xf32, #tpu.memory_space<vmem_shared>>
      %dma_wait3A_51 = arith.constant 0 : i32
      %dma_wait3A_52 = tpu.memref_slice %arg2[%mul3A_46, %dma_wait3A_51] : memref<10000x128xf32, #tpu.memory_space<hbm>> -> memref<624x128xf32, #tpu.memory_space<hbm>>
      tpu.wait_dma2 semaphore(%arg13 : memref<!tpu.dma_semaphore, #tpu.memory_space<semaphore_mem>>) src(%dma_wait3A_52 : memref<624x128xf32, #tpu.memory_space<hbm>>) dst(%dma_wait3A_50 : memref<624x128xf32, #tpu.memory_space<vmem_shared>>)
      %eq3A_53 = arith.constant 15 : i32
      %eq3A_54 = arith.cmpi eq, %arg1, %eq3A_53 : i32
      %convert_element_type3A_55 = arith.extui %eq3A_54 : i1 to i32
      %cond3A_56 = arith.constant 0 : i32
      %cond3A_57 = arith.cmpi ne, %convert_element_type3A_55, %cond3A_56 : i32
      scf.if %cond3A_57 {
        %dma_wait3A_58 = arith.constant 9984 : i32
        %dma_wait3A_59 = arith.constant 0 : i32
        %dma_wait3A_60 = tpu.memref_slice %arg10[%dma_wait3A_58, %dma_wait3A_59] : memref<10000x128xf32, #tpu.memory_space<vmem_shared>> -> memref<16x128xf32, #tpu.memory_space<vmem_shared>>
        %dma_wait3A_61 = arith.constant 9984 : i32
        %dma_wait3A_62 = arith.constant 0 : i32
        %dma_wait3A_63 = tpu.memref_slice %arg2[%dma_wait3A_61, %dma_wait3A_62] : memref<10000x128xf32, #tpu.memory_space<hbm>> -> memref<16x128xf32, #tpu.memory_space<hbm>>
        tpu.wait_dma2 semaphore(%arg13 : memref<!tpu.dma_semaphore, #tpu.memory_space<semaphore_mem>>) src(%dma_wait3A_63 : memref<16x128xf32, #tpu.memory_space<hbm>>) dst(%dma_wait3A_60 : memref<16x128xf32, #tpu.memory_space<vmem_shared>>)
      } else {
      }
    } else {
    }
    %ne3A_21 = arith.constant 0 : i32
    %ne3A_22 = arith.cmpi ne, %arg0, %ne3A_21 : i32
    %convert_element_type3A_23 = arith.extui %ne3A_22 : i1 to i32
    %cond3A_24 = arith.constant 0 : i32
    %cond3A_25 = arith.cmpi ne, %convert_element_type3A_23, %cond3A_24 : i32
    scf.if %cond3A_25 {
      %mul3A_45 = arith.constant 624 : i32
      %mul3A_46 = arith.muli %arg1, %mul3A_45 : i32
      %dma_wait3A_47 = arith.constant 0 : i32
      %dma_wait3A_48 = tpu.memref_slice %arg10[%mul3A_46, %dma_wait3A_47] : memref<10000x128xf32, #tpu.memory_space<vmem_shared>> -> memref<624x128xf32, #tpu.memory_space<vmem_shared>>
      tpu.wait_dma2 semaphore(%arg13 : memref<!tpu.dma_semaphore, #tpu.memory_space<semaphore_mem>>) src(%arg4 : memref<624x128xf32, #tpu.memory_space<hbm>>) dst(%dma_wait3A_48 : memref<624x128xf32, #tpu.memory_space<vmem_shared>>)
      %eq3A_49 = arith.constant 15 : i32
      %eq3A_50 = arith.cmpi eq, %arg1, %eq3A_49 : i32
      %convert_element_type3A_51 = arith.extui %eq3A_50 : i1 to i32
      %cond3A_52 = arith.constant 0 : i32
      %cond3A_53 = arith.cmpi ne, %convert_element_type3A_51, %cond3A_52 : i32
      scf.if %cond3A_53 {
        %dma_wait3A_54 = arith.constant 9984 : i32
        %dma_wait3A_55 = arith.constant 0 : i32
        %dma_wait3A_56 = tpu.memref_slice %arg10[%dma_wait3A_54, %dma_wait3A_55] : memref<10000x128xf32, #tpu.memory_space<vmem_shared>> -> memref<16x128xf32, #tpu.memory_space<vmem_shared>>
        %dma_wait3A_57 = arith.constant 0 : i32
        %dma_wait3A_58 = arith.constant 0 : i32
        %dma_wait3A_59 = tpu.memref_slice %arg4[%dma_wait3A_57, %dma_wait3A_58] : memref<624x128xf32, #tpu.memory_space<hbm>> -> memref<16x128xf32, #tpu.memory_space<hbm>>
        tpu.wait_dma2 semaphore(%arg13 : memref<!tpu.dma_semaphore, #tpu.memory_space<semaphore_mem>>) src(%dma_wait3A_59 : memref<16x128xf32, #tpu.memory_space<hbm>>) dst(%dma_wait3A_56 : memref<16x128xf32, #tpu.memory_space<vmem_shared>>)
      } else {
      }
    } else {
    }
    %barrier3A = arith.constant 0 : index
    tpu.barrier barrier_id(%barrier3A)
    %scan3A = arith.constant 0 : i32
    %scan3A_26 = arith.constant 0 : i32
    %scan3A_27 = arith.constant 62 : i32
    %scan3A_28 = arith.addi %scan3A_26, %scan3A_27 : i32
    %scan3A_29 = arith.constant 1 : i32
    scf.for %scan3A_45 = %scan3A_26 to %scan3A_28 step %scan3A_29  : i32 {
      %mul3A_46 = arith.constant 2 : i32
      %mul3A_47 = arith.muli %mul3A_46, %scan3A_45 : i32
      %add3A_48 = arith.constant 1 : i32
      %add3A_49 = arith.addi %mul3A_47, %add3A_48 : i32
      %mul3A_50 = arith.constant 80 : i32
      %mul3A_51 = arith.muli %add3A_49, %mul3A_50 : i32
      %dma_start3A_52 = tpu.memref_slice %arg6[%mul3A_51] : memref<10000xi32, #tpu.memory_space<vmem>> -> memref<80xi32, #tpu.memory_space<vmem>>
      %dma_start3A_53 = arith.constant 0 : i32
      %dma_start3A_54 = arith.constant 0 : i32
      %dma_start3A_55 = tpu.memref_slice %arg2[%dma_start3A_53, %dma_start3A_54] : memref<10000x128xf32, #tpu.memory_space<hbm>> -> memref<10000x128xf32, #tpu.memory_space<hbm>>
      tpu.enqueue_indirect_dma source(%dma_start3A_55 : memref<10000x128xf32, #tpu.memory_space<hbm>>) target(%arg9 : memref<80x128xf32, #tpu.memory_space<vmem>>) offsets(%dma_start3A_52 : memref<80xi32, #tpu.memory_space<vmem>>) semaphore(%arg12 : memref<!tpu.dma_semaphore, #tpu.memory_space<semaphore_mem>>)
      %mul3A_56 = arith.constant 80 : i32
      %mul3A_57 = arith.muli %mul3A_47, %mul3A_56 : i32
      %dma_wait3A_58 = tpu.memref_slice %arg6[%mul3A_57] : memref<10000xi32, #tpu.memory_space<vmem>> -> memref<80xi32, #tpu.memory_space<vmem>>
      %dma_wait3A_59 = arith.constant 0 : i32
      %dma_wait3A_60 = arith.constant 0 : i32
      %dma_wait3A_61 = tpu.memref_slice %arg2[%dma_wait3A_59, %dma_wait3A_60] : memref<10000x128xf32, #tpu.memory_space<hbm>> -> memref<10000x128xf32, #tpu.memory_space<hbm>>
      tpu.wait_indirect_dma semaphore(%arg11 : memref<!tpu.dma_semaphore, #tpu.memory_space<semaphore_mem>>) src(%dma_wait3A_61 : memref<10000x128xf32, #tpu.memory_space<hbm>>) dst(%arg8 : memref<80x128xf32, #tpu.memory_space<vmem>>)
      %mul3A_62 = arith.constant 80 : i32
      %mul3A_63 = arith.muli %mul3A_47, %mul3A_62 : i32
      "tpu.region"() ({
        %run_scoped3A_84 = tpu.sem_alloc : memref<!tpu.dma_semaphore, #tpu.memory_space<semaphore_mem>>
        %dma_start3A_85 = tpu.memref_slice %arg7[%mul3A_63] : memref<10000xi32, #tpu.memory_space<vmem>> -> memref<80xi32, #tpu.memory_space<vmem>>
        %dma_start3A_86 = arith.constant 0 : i32
        %dma_start3A_87 = arith.constant 0 : i32
        %dma_start3A_88 = tpu.memref_slice %arg10[%dma_start3A_86, %dma_start3A_87] : memref<10000x128xf32, #tpu.memory_space<vmem_shared>> -> memref<10000x128xf32, #tpu.memory_space<vmem_shared>>
        tpu.enqueue_indirect_dma source(%arg8 : memref<80x128xf32, #tpu.memory_space<vmem>>) target(%dma_start3A_88 : memref<10000x128xf32, #tpu.memory_space<vmem_shared>>) offsets(%dma_start3A_85 : memref<80xi32, #tpu.memory_space<vmem>>) semaphore(%run_scoped3A_84 : memref<!tpu.dma_semaphore, #tpu.memory_space<semaphore_mem>>) {add = true}
        %dma_wait3A_89 = tpu.memref_slice %arg7[%mul3A_63] : memref<10000xi32, #tpu.memory_space<vmem>> -> memref<80xi32, #tpu.memory_space<vmem>>
        %dma_wait3A_90 = arith.constant 0 : i32
        %dma_wait3A_91 = arith.constant 0 : i32
        %dma_wait3A_92 = tpu.memref_slice %arg10[%dma_wait3A_90, %dma_wait3A_91] : memref<10000x128xf32, #tpu.memory_space<vmem_shared>> -> memref<10000x128xf32, #tpu.memory_space<vmem_shared>>
        tpu.wait_indirect_dma semaphore(%run_scoped3A_84 : memref<!tpu.dma_semaphore, #tpu.memory_space<semaphore_mem>>) src(%arg8 : memref<80x128xf32, #tpu.memory_space<vmem>>) dst(%dma_wait3A_92 : memref<10000x128xf32, #tpu.memory_space<vmem_shared>>)
        tpu.yield
      }) : () -> ()
      %add3A_64 = arith.constant 2 : i32
      %add3A_65 = arith.addi %mul3A_47, %add3A_64 : i32
      %mul3A_66 = arith.constant 80 : i32
      %mul3A_67 = arith.muli %add3A_65, %mul3A_66 : i32
      %dma_start3A_68 = tpu.memref_slice %arg6[%mul3A_67] : memref<10000xi32, #tpu.memory_space<vmem>> -> memref<80xi32, #tpu.memory_space<vmem>>
      %dma_start3A_69 = arith.constant 0 : i32
      %dma_start3A_70 = arith.constant 0 : i32
      %dma_start3A_71 = tpu.memref_slice %arg2[%dma_start3A_69, %dma_start3A_70] : memref<10000x128xf32, #tpu.memory_space<hbm>> -> memref<10000x128xf32, #tpu.memory_space<hbm>>
      tpu.enqueue_indirect_dma source(%dma_start3A_71 : memref<10000x128xf32, #tpu.memory_space<hbm>>) target(%arg8 : memref<80x128xf32, #tpu.memory_space<vmem>>) offsets(%dma_start3A_68 : memref<80xi32, #tpu.memory_space<vmem>>) semaphore(%arg11 : memref<!tpu.dma_semaphore, #tpu.memory_space<semaphore_mem>>)
      %add3A_72 = arith.constant 1 : i32
      %add3A_73 = arith.addi %mul3A_47, %add3A_72 : i32
      %mul3A_74 = arith.constant 80 : i32
      %mul3A_75 = arith.muli %add3A_73, %mul3A_74 : i32
      %dma_wait3A_76 = tpu.memref_slice %arg6[%mul3A_75] : memref<10000xi32, #tpu.memory_space<vmem>> -> memref<80xi32, #tpu.memory_space<vmem>>
      %dma_wait3A_77 = arith.constant 0 : i32
      %dma_wait3A_78 = arith.constant 0 : i32
      %dma_wait3A_79 = tpu.memref_slice %arg2[%dma_wait3A_77, %dma_wait3A_78] : memref<10000x128xf32, #tpu.memory_space<hbm>> -> memref<10000x128xf32, #tpu.memory_space<hbm>>
      tpu.wait_indirect_dma semaphore(%arg12 : memref<!tpu.dma_semaphore, #tpu.memory_space<semaphore_mem>>) src(%dma_wait3A_79 : memref<10000x128xf32, #tpu.memory_space<hbm>>) dst(%arg9 : memref<80x128xf32, #tpu.memory_space<vmem>>)
      %add3A_80 = arith.constant 1 : i32
      %add3A_81 = arith.addi %mul3A_47, %add3A_80 : i32
      %mul3A_82 = arith.constant 80 : i32
      %mul3A_83 = arith.muli %add3A_81, %mul3A_82 : i32
      "tpu.region"() ({
        %run_scoped3A_84 = tpu.sem_alloc : memref<!tpu.dma_semaphore, #tpu.memory_space<semaphore_mem>>
        %dma_start3A_85 = tpu.memref_slice %arg7[%mul3A_83] : memref<10000xi32, #tpu.memory_space<vmem>> -> memref<80xi32, #tpu.memory_space<vmem>>
        %dma_start3A_86 = arith.constant 0 : i32
        %dma_start3A_87 = arith.constant 0 : i32
        %dma_start3A_88 = tpu.memref_slice %arg10[%dma_start3A_86, %dma_start3A_87] : memref<10000x128xf32, #tpu.memory_space<vmem_shared>> -> memref<10000x128xf32, #tpu.memory_space<vmem_shared>>
        tpu.enqueue_indirect_dma source(%arg9 : memref<80x128xf32, #tpu.memory_space<vmem>>) target(%dma_start3A_88 : memref<10000x128xf32, #tpu.memory_space<vmem_shared>>) offsets(%dma_start3A_85 : memref<80xi32, #tpu.memory_space<vmem>>) semaphore(%run_scoped3A_84 : memref<!tpu.dma_semaphore, #tpu.memory_space<semaphore_mem>>) {add = true}
        %dma_wait3A_89 = tpu.memref_slice %arg7[%mul3A_83] : memref<10000xi32, #tpu.memory_space<vmem>> -> memref<80xi32, #tpu.memory_space<vmem>>
        %dma_wait3A_90 = arith.constant 0 : i32
        %dma_wait3A_91 = arith.constant 0 : i32
        %dma_wait3A_92 = tpu.memref_slice %arg10[%dma_wait3A_90, %dma_wait3A_91] : memref<10000x128xf32, #tpu.memory_space<vmem_shared>> -> memref<10000x128xf32, #tpu.memory_space<vmem_shared>>
        tpu.wait_indirect_dma semaphore(%run_scoped3A_84 : memref<!tpu.dma_semaphore, #tpu.memory_space<semaphore_mem>>) src(%arg9 : memref<80x128xf32, #tpu.memory_space<vmem>>) dst(%dma_wait3A_92 : memref<10000x128xf32, #tpu.memory_space<vmem_shared>>)
        tpu.yield
      }) : () -> ()
    }
    %scan3A_30 = arith.constant 62 : i32
    %dma_wait3A = arith.constant 9920 : i32
    %dma_wait3A_31 = tpu.memref_slice %arg6[%dma_wait3A] : memref<10000xi32, #tpu.memory_space<vmem>> -> memref<80xi32, #tpu.memory_space<vmem>>
    %dma_wait3A_32 = arith.constant 0 : i32
    %dma_wait3A_33 = arith.constant 0 : i32
    %dma_wait3A_34 = tpu.memref_slice %arg2[%dma_wait3A_32, %dma_wait3A_33] : memref<10000x128xf32, #tpu.memory_space<hbm>> -> memref<10000x128xf32, #tpu.memory_space<hbm>>
    tpu.wait_indirect_dma semaphore(%arg11 : memref<!tpu.dma_semaphore, #tpu.memory_space<semaphore_mem>>) src(%dma_wait3A_34 : memref<10000x128xf32, #tpu.memory_space<hbm>>) dst(%arg8 : memref<80x128xf32, #tpu.memory_space<vmem>>)
    "tpu.region"() ({
      %run_scoped3A_45 = tpu.sem_alloc : memref<!tpu.dma_semaphore, #tpu.memory_space<semaphore_mem>>
      %dma_start3A_46 = arith.constant 9920 : i32
      %dma_start3A_47 = tpu.memref_slice %arg7[%dma_start3A_46] : memref<10000xi32, #tpu.memory_space<vmem>> -> memref<80xi32, #tpu.memory_space<vmem>>
      %dma_start3A_48 = arith.constant 0 : i32
      %dma_start3A_49 = arith.constant 0 : i32
      %dma_start3A_50 = tpu.memref_slice %arg10[%dma_start3A_48, %dma_start3A_49] : memref<10000x128xf32, #tpu.memory_space<vmem_shared>> -> memref<10000x128xf32, #tpu.memory_space<vmem_shared>>
      tpu.enqueue_indirect_dma source(%arg8 : memref<80x128xf32, #tpu.memory_space<vmem>>) target(%dma_start3A_50 : memref<10000x128xf32, #tpu.memory_space<vmem_shared>>) offsets(%dma_start3A_47 : memref<80xi32, #tpu.memory_space<vmem>>) semaphore(%run_scoped3A_45 : memref<!tpu.dma_semaphore, #tpu.memory_space<semaphore_mem>>) {add = true}
      %dma_wait3A_51 = arith.constant 9920 : i32
      %dma_wait3A_52 = tpu.memref_slice %arg7[%dma_wait3A_51] : memref<10000xi32, #tpu.memory_space<vmem>> -> memref<80xi32, #tpu.memory_space<vmem>>
      %dma_wait3A_53 = arith.constant 0 : i32
      %dma_wait3A_54 = arith.constant 0 : i32
      %dma_wait3A_55 = tpu.memref_slice %arg10[%dma_wait3A_53, %dma_wait3A_54] : memref<10000x128xf32, #tpu.memory_space<vmem_shared>> -> memref<10000x128xf32, #tpu.memory_space<vmem_shared>>
      tpu.wait_indirect_dma semaphore(%run_scoped3A_45 : memref<!tpu.dma_semaphore, #tpu.memory_space<semaphore_mem>>) src(%arg8 : memref<80x128xf32, #tpu.memory_space<vmem>>) dst(%dma_wait3A_55 : memref<10000x128xf32, #tpu.memory_space<vmem_shared>>)
      tpu.yield
    }) : () -> ()
    %barrier3A_35 = arith.constant 0 : index
    tpu.barrier barrier_id(%barrier3A_35)
    %mul3A_36 = arith.constant 624 : i32
    %mul3A_37 = arith.muli %arg1, %mul3A_36 : i32
    %mul3A_38 = arith.constant 624 : i32
    %mul3A_39 = arith.muli %arg1, %mul3A_38 : i32
    "tpu.region"() ({
      %run_scoped3A_45 = tpu.sem_alloc : memref<!tpu.dma_semaphore, #tpu.memory_space<semaphore_mem>>
      %dma_start3A_46 = arith.constant 0 : i32
      %dma_start3A_47 = tpu.memref_slice %arg5[%arg0, %mul3A_39, %dma_start3A_46] : memref<2x10000x128xf32, #tpu.memory_space<hbm>> -> memref<1x624x128xf32, #tpu.memory_space<hbm>>
      %dma_start3A_48 = tpu.memref_squeeze %dma_start3A_47 : memref<1x624x128xf32, #tpu.memory_space<hbm>> -> memref<624x128xf32, #tpu.memory_space<hbm>>
      %dma_start3A_49 = arith.constant 0 : i32
      %dma_start3A_50 = tpu.memref_slice %arg10[%mul3A_37, %dma_start3A_49] : memref<10000x128xf32, #tpu.memory_space<vmem_shared>> -> memref<624x128xf32, #tpu.memory_space<vmem_shared>>
      tpu.enqueue_dma source(%dma_start3A_50 : memref<624x128xf32, #tpu.memory_space<vmem_shared>>) target(%dma_start3A_48 : memref<624x128xf32, #tpu.memory_space<hbm>>) target_semaphore(%run_scoped3A_45 : memref<!tpu.dma_semaphore, #tpu.memory_space<semaphore_mem>>)
      %dma_wait3A_51 = arith.constant 0 : i32
      %dma_wait3A_52 = tpu.memref_slice %arg5[%arg0, %mul3A_39, %dma_wait3A_51] : memref<2x10000x128xf32, #tpu.memory_space<hbm>> -> memref<1x624x128xf32, #tpu.memory_space<hbm>>
      %dma_wait3A_53 = tpu.memref_squeeze %dma_wait3A_52 : memref<1x624x128xf32, #tpu.memory_space<hbm>> -> memref<624x128xf32, #tpu.memory_space<hbm>>
      %dma_wait3A_54 = arith.constant 0 : i32
      %dma_wait3A_55 = tpu.memref_slice %arg10[%mul3A_37, %dma_wait3A_54] : memref<10000x128xf32, #tpu.memory_space<vmem_shared>> -> memref<624x128xf32, #tpu.memory_space<vmem_shared>>
      tpu.wait_dma2 semaphore(%run_scoped3A_45 : memref<!tpu.dma_semaphore, #tpu.memory_space<semaphore_mem>>) src(%dma_wait3A_55 : memref<624x128xf32, #tpu.memory_space<vmem_shared>>) dst(%dma_wait3A_53 : memref<624x128xf32, #tpu.memory_space<hbm>>)
      tpu.yield
    }) : () -> ()
    %eq3A_40 = arith.constant 15 : i32
    %eq3A_41 = arith.cmpi eq, %arg1, %eq3A_40 : i32
    %convert_element_type3A_42 = arith.extui %eq3A_41 : i1 to i32
    %cond3A_43 = arith.constant 0 : i32
    %cond3A_44 = arith.cmpi ne, %convert_element_type3A_42, %cond3A_43 : i32
    scf.if %cond3A_44 {
      "tpu.region"() ({
        %run_scoped3A_45 = tpu.sem_alloc : memref<!tpu.dma_semaphore, #tpu.memory_space<semaphore_mem>>
        %dma_start3A_46 = arith.constant 9984 : i32
        %dma_start3A_47 = arith.constant 0 : i32
        %dma_start3A_48 = tpu.memref_slice %arg5[%arg0, %dma_start3A_46, %dma_start3A_47] : memref<2x10000x128xf32, #tpu.memory_space<hbm>> -> memref<1x16x128xf32, #tpu.memory_space<hbm>>
        %dma_start3A_49 = tpu.memref_squeeze %dma_start3A_48 : memref<1x16x128xf32, #tpu.memory_space<hbm>> -> memref<16x128xf32, #tpu.memory_space<hbm>>
        %dma_start3A_50 = arith.constant 9984 : i32
        %dma_start3A_51 = arith.constant 0 : i32
        %dma_start3A_52 = tpu.memref_slice %arg10[%dma_start3A_50, %dma_start3A_51] : memref<10000x128xf32, #tpu.memory_space<vmem_shared>> -> memref<16x128xf32, #tpu.memory_space<vmem_shared>>
        tpu.enqueue_dma source(%dma_start3A_52 : memref<16x128xf32, #tpu.memory_space<vmem_shared>>) target(%dma_start3A_49 : memref<16x128xf32, #tpu.memory_space<hbm>>) target_semaphore(%run_scoped3A_45 : memref<!tpu.dma_semaphore, #tpu.memory_space<semaphore_mem>>)
        %dma_wait3A_53 = arith.constant 9984 : i32
        %dma_wait3A_54 = arith.constant 0 : i32
        %dma_wait3A_55 = tpu.memref_slice %arg5[%arg0, %dma_wait3A_53, %dma_wait3A_54] : memref<2x10000x128xf32, #tpu.memory_space<hbm>> -> memref<1x16x128xf32, #tpu.memory_space<hbm>>
        %dma_wait3A_56 = tpu.memref_squeeze %dma_wait3A_55 : memref<1x16x128xf32, #tpu.memory_space<hbm>> -> memref<16x128xf32, #tpu.memory_space<hbm>>
        %dma_wait3A_57 = arith.constant 9984 : i32
        %dma_wait3A_58 = arith.constant 0 : i32
        %dma_wait3A_59 = tpu.memref_slice %arg10[%dma_wait3A_57, %dma_wait3A_58] : memref<10000x128xf32, #tpu.memory_space<vmem_shared>> -> memref<16x128xf32, #tpu.memory_space<vmem_shared>>
        tpu.wait_dma2 semaphore(%run_scoped3A_45 : memref<!tpu.dma_semaphore, #tpu.memory_space<semaphore_mem>>) src(%dma_wait3A_59 : memref<16x128xf32, #tpu.memory_space<vmem_shared>>) dst(%dma_wait3A_56 : memref<16x128xf32, #tpu.memory_space<hbm>>)
        tpu.yield
      }) : () -> ()
    } else {
    }
    return
  }
}

module attributes {stable_mosaic.version = 14 : i64} {
  func.func @mlp_body(%arg0: i32, %arg1: memref<2x1000x128xf32, #tpu.memory_space<vmem>>, %arg2: memref<128x128xf32, #tpu.memory_space<vmem>>, %arg3: memref<1x128xf32, #tpu.memory_space<vmem>>, %arg4: memref<128x128xf32, #tpu.memory_space<vmem>>, %arg5: memref<1x128xf32, #tpu.memory_space<vmem>>, %arg6: memref<1000x128xf32, #tpu.memory_space<vmem>>) attributes {dimension_semantics = [#tpu.dimension_semantics<arbitrary>], iteration_bounds = array<i64: 10>, scalar_prefetch = 0 : i64, scratch_operands = 0 : i64, tpu.core_type = #tpu.core_type<tc>, window_params = [{transform_indices = @transform_0, window_bounds = array<i64: 2, 1000, 128>}, {pipeline_mode = #tpu.pipeline_mode<synchronous>, transform_indices = @transform_1, window_bounds = array<i64: 128, 128>}, {pipeline_mode = #tpu.pipeline_mode<synchronous>, transform_indices = @transform_2, window_bounds = array<i64: 1, 128>}, {pipeline_mode = #tpu.pipeline_mode<synchronous>, transform_indices = @transform_3, window_bounds = array<i64: 128, 128>}, {pipeline_mode = #tpu.pipeline_mode<synchronous>, transform_indices = @transform_4, window_bounds = array<i64: 1, 128>}, {transform_indices = @transform_5, window_bounds = array<i64: 1000, 128>}]} {
    %get3A = arith.constant 0 : index
    %get3A_0 = arith.constant 0 : index
    %get3A_1 = arith.constant 0 : index
    %get3A_2 = vector.load %arg1[%get3A, %get3A_0, %get3A_1] : memref<2x1000x128xf32, #tpu.memory_space<vmem>>, vector<1x1000x128xf32>
    %get3A_3 = vector.shape_cast %get3A_2 : vector<1x1000x128xf32> to vector<1000x128xf32>
    %get3A_4 = arith.constant 1 : index
    %get3A_5 = arith.constant 0 : index
    %get3A_6 = arith.constant 0 : index
    %get3A_7 = vector.load %arg1[%get3A_4, %get3A_5, %get3A_6] : memref<2x1000x128xf32, #tpu.memory_space<vmem>>, vector<1x1000x128xf32>
    %get3A_8 = vector.shape_cast %get3A_7 : vector<1x1000x128xf32> to vector<1000x128xf32>
    %add3A = arith.addf %get3A_3, %get3A_8 : vector<1000x128xf32>
    %get3A_9 = arith.constant 0 : index
    %get3A_10 = arith.constant 0 : index
    %get3A_11 = vector.load %arg2[%get3A_9, %get3A_10] : memref<128x128xf32, #tpu.memory_space<vmem>>, vector<128x128xf32>
    %dot_general3A = arith.constant dense<0.000000e+00> : vector<1000x128xf32>
    %dot_general3A_12 = tpu.matmul %add3A, %get3A_11, %dot_general3A {dimension_numbers = #tpu.dot_dimension_numbers<[1], [0], [0], [1], [0, 0, 1, 1], [], []>, transpose_lhs_hint = false} : vector<1000x128xf32>, vector<128x128xf32>, vector<1000x128xf32> -> vector<1000x128xf32>
    %get3A_13 = arith.constant 0 : index
    %get3A_14 = arith.constant 0 : index
    %get3A_15 = vector.load %arg3[%get3A_13, %get3A_14] : memref<1x128xf32, #tpu.memory_space<vmem>>, vector<1x128xf32>
    %add3A_16 = vector.broadcast %get3A_15 : vector<1x128xf32> to vector<1000x128xf32>
    %add3A_17 = arith.addf %dot_general3A_12, %add3A_16 : vector<1000x128xf32>
    %max3A = arith.constant 0.000000e+00 : f32
    %max3A_18 = vector.broadcast %max3A : f32 to vector<1000x128xf32>
    %max3A_19 = arith.maximumf %add3A_17, %max3A_18 : vector<1000x128xf32>
    %get3A_20 = arith.constant 0 : index
    %get3A_21 = arith.constant 0 : index
    %get3A_22 = vector.load %arg4[%get3A_20, %get3A_21] : memref<128x128xf32, #tpu.memory_space<vmem>>, vector<128x128xf32>
    %dot_general3A_23 = arith.constant dense<0.000000e+00> : vector<1000x128xf32>
    %dot_general3A_24 = tpu.matmul %max3A_19, %get3A_22, %dot_general3A_23 {dimension_numbers = #tpu.dot_dimension_numbers<[1], [0], [0], [1], [0, 0, 1, 1], [], []>, transpose_lhs_hint = false} : vector<1000x128xf32>, vector<128x128xf32>, vector<1000x128xf32> -> vector<1000x128xf32>
    %get3A_25 = arith.constant 0 : index
    %get3A_26 = arith.constant 0 : index
    %get3A_27 = vector.load %arg5[%get3A_25, %get3A_26] : memref<1x128xf32, #tpu.memory_space<vmem>>, vector<1x128xf32>
    %add3A_28 = vector.broadcast %get3A_27 : vector<1x128xf32> to vector<1000x128xf32>
    %add3A_29 = arith.addf %dot_general3A_24, %add3A_28 : vector<1000x128xf32>
    %swap3A = arith.constant 0 : index
    %swap3A_30 = arith.constant 0 : index
    %swap3A_31 = vector.load %arg6[%swap3A, %swap3A_30] : memref<1000x128xf32, #tpu.memory_space<vmem>>, vector<1000x128xf32>
    tpu.vector_store %arg6[%swap3A, %swap3A_30], %add3A_29 {strides = array<i32>} : memref<1000x128xf32, #tpu.memory_space<vmem>>, vector<1000x128xf32>,
    return
  }
  func.func @transform_0(%arg0: i32) -> (i32, i32, i32) {
    %c0_i32 = arith.constant 0 : i32
    %c0_i32_0 = arith.constant 0 : i32
    %c0_i32_1 = arith.constant 0 : i32
    return %c0_i32, %arg0, %c0_i32_0 : i32, i32, i32
  }
  func.func @transform_1(%arg0: i32) -> (i32, i32) {
    %c0_i32 = arith.constant 0 : i32
    %c0_i32_0 = arith.constant 0 : i32
    %c0_i32_1 = arith.constant 0 : i32
    return %c0_i32, %c0_i32_0 : i32, i32
  }
  func.func @transform_2(%arg0: i32) -> (i32, i32) {
    %c0_i32 = arith.constant 0 : i32
    %c0_i32_0 = arith.constant 0 : i32
    %c0_i32_1 = arith.constant 0 : i32
    return %c0_i32, %c0_i32_0 : i32, i32
  }
  func.func @transform_3(%arg0: i32) -> (i32, i32) {
    %c0_i32 = arith.constant 0 : i32
    %c0_i32_0 = arith.constant 0 : i32
    %c0_i32_1 = arith.constant 0 : i32
    return %c0_i32, %c0_i32_0 : i32, i32
  }
  func.func @transform_4(%arg0: i32) -> (i32, i32) {
    %c0_i32 = arith.constant 0 : i32
    %c0_i32_0 = arith.constant 0 : i32
    %c0_i32_1 = arith.constant 0 : i32
    return %c0_i32, %c0_i32_0 : i32, i32
  }
  func.func @transform_5(%arg0: i32) -> (i32, i32) {
    %c0_i32 = arith.constant 0 : i32
    %c0_i32_0 = arith.constant 0 : i32
    return %arg0, %c0_i32 : i32, i32
  }
}

</mosaic_0001>

<sc_bundles>
// kernel: kernel.4.cloned.1.call-start
scs
__scs_entry_jumppad:
0x0: {  	(pc) =	sbr.rel $0x88, $3  }
0x1: {  	(tag) =	ssettag $0x0;
	lr =	simm.s32 $0x1  }
0x2: {  	[smem:$0x3F9B] =	sst lr;
	_ =	strace $0xD0000000  }
0x3: {  	_ = 	snop  }
0x4: {  	_ = 	snop  }
0x5: {  	_ = 	snop  }
0x6: {  	_ = 	snop  }
0x7: {  	_ = 	snop  }
__scs_overlays_trampoline_lowered:
0x8: {  	[smem:$0x3FAA] =	sst s0  }
0x9: {  	[smem:$0x3FAB] =	sst s1  }
0xa: {  	[smem:$0x3FAC] =	sst s2  }
0xb: {  	[smem:$0x3FAD] =	sst s3  }
0xc: {  	[smem:$0x3FAE] =	sst s4  }
0xd: {  	[smem:$0x3FAF] =	sst s5  }
0xe: {  	[smem:$0x3FB0] =	sst s6  }
0xf: {  	[smem:$0x3FB1] =	sst s7  }
0x10: {  	[smem:$0x3FB2] =	sst s8  }
0x11: {  	[smem:$0x3FB3] =	sst s9;
	s0 =	simm.s32 @!p0 $0x0  }
0x12: {  	s1 =	sld [smem:$0x3F99];
	s0 =	simm.s32 @p0 $0x1  }
0x13: {  	[smem:$0x3FB4] =	sst s0;
	s0 =	simm.s32 @!p1 $0x0  }
0x14: {  	s2 =	sld [smem:$0x3F98];
	s0 =	simm.s32 @p1 $0x1  }
0x15: {  	[smem:$0x3FB5] =	sst s0;
	s0 =	simm.s32 @!p2 $0x0  }
0x16: {  	s3 =	sld [smem:$0x3FDB];
	s0 =	simm.s32 @p2 $0x1  }
0x17: {  	s4 =	simm.s32 $0x1BF5;
	[smem:$0x3FB7] =	sst s0  }
0x18: {  	s0 =	sld [smem:$0x3F9A];
	_ =	swait.ge [sflag:s4], $0x0  }
0x19: {  	s7 =	sld [smem:$0x3F9B]  }
0x1a: {  	s8 =	sadd.s32 $0xFFFFE003, lr  }
0x1b: {  	s9 =	sadd.s32 $0xFFFFFEF7, lr;
	s5 =	simm.s32 $0xFFFFFFFF;
	p2 =	slt.u32 s8, $0xFFFFF086  }
0x1c: {  	p1 =	slt.u32 s9, $0xF7A;
	s5 =	simm.s32 @!p2 $0x0  }
0x1d: {  	s5 =	simm.s32 @p1 $0x1;
	p0 =	seq.s32 s7, s2  }
0x1e: {  	s7 =	smul.u32 @!p0 $0xF7A, s2;
	p2 =	seq.s32 @!p0 s5, $0x0  }
0x1f: {  	s9 =	smul.u32 $0xF7A, s1;
	s8 =	simm.s32 @!p0 $0x1BF5;
	p2 =	por !p2, p0  }
0x20: {  	[sflag:s8] =	ssyncset.s32 @!p0 $0xFFFFF086;
	s6 =	sadd.s32 @!p0 s3, s7;
	s7 =	simm.s32 @!p0 $0x108  }
0x21: {  	s3 =	sadd.s32 s3, s9;
	s6 =	sadd.s32 @!p0 $0x88, s6;
	s7 =	simm.s32 @p2 $0x1082  }
0x22: {  	[simem:s7], [sflag:s8] =	dma.local @!p0 [hbm:s6], $0xF7A  }
0x23: {  	s9 =	sor.u32 $0xD0000000, s2;
	s6 =	simm.s32 $0x108;
	_ =	swait.ge @!p0 [sflag:s8], $0x0  }
0x24: {  	s3 =	sadd.s32 $0x88, s3;
	s6 =	simm.s32 @!p1 $0x1082;
	[sflag:s4] =	ssyncset.s32 $0xFFFFF086  }
0x25: {  	[simem:s6], [sflag:s4] =	dma.local [hbm:s3], $0xF7A  }
0x26: {  	[smem:$0x3F9B] =	sst s1;
	(tag) =	ssettag s2;
	_ =	strace s9  }
0x27: {  	s1 =	sld [smem:$0x3FAB]  }
0x28: {  	s2 =	sld [smem:$0x3FAC]  }
0x29: {  	s4 =	sld [smem:$0x3FAE]  }
0x2a: {  	p0 =	seq.s32 s5, $0x0;
	s5 =	sld [smem:$0x3FAF]  }
0x2b: {  	s6 =	sld [smem:$0x3FB0]  }
0x2c: {  	s7 =	sld [smem:$0x3FB1]  }
0x2d: {  	s3 =	simm.s32 $0x108;
	s8 =	sld [smem:$0x3FB2]  }
0x2e: {  	s3 =	simm.s32 @!p0 $0x1082;
	s9 =	sld [smem:$0x3FB3]  }
0x2f: {  	lr =	sadd.s32 s0, s3;
	s0 =	sld [smem:$0x3FAA]  }
0x30: {  	s3 =	sld [smem:$0x3FAD]  }
0x31: {  	[smem:$0x3FB6] =	sst s10  }
0x32: {  	s10 =	sld [smem:$0x3FB4];
	_ =	sdelay $0x3  }
0x33: {  	p0 =	seq.s32 s10, $0x1;
	s10 =	sld [smem:$0x3FB6];
	_ =	sdelay $0x3  }
0x34: {  	[smem:$0x3FB6] =	sst s10  }
0x35: {  	s10 =	sld [smem:$0x3FB5];
	_ =	sdelay $0x3  }
0x36: {  	p1 =	seq.s32 s10, $0x1;
	s10 =	sld [smem:$0x3FB6];
	_ =	sdelay $0x3  }
0x37: {  	[smem:$0x3FB6] =	sst s10  }
0x38: {  	s10 =	sld [smem:$0x3FB7]  }
0x39: {  	_ = 	snop;
	(pc) =	sbr.ind lr, $3  }
0x3a: {  	_ = 	snop  }
0x3b: {  	_ = 	snop  }
0x3c: {  	p2 =	seq.s32 s10, $0x1;
	s10 =	sld [smem:$0x3FB6]  }
0x3d: {  	_ =	shalt  }
0x3e: {  	_ =	shalt  }
0x3f: {  	_ =	shalt  }
0x40: {  	_ =	shalt  }
0x41: {  	_ =	shalt  }
0x42: {  	_ =	shalt  }
0x43: {  	_ =	shalt  }
0x44: {  	_ =	shalt  }
0x45: {  	_ =	shalt  }
0x46: {  	_ =	shalt  }
0x47: {  	_ =	shalt  }
0x48: {  	_ =	shalt  }
0x49: {  	_ =	shalt  }
0x4a: {  	_ =	shalt  }
0x4b: {  	_ =	shalt  }
0x4c: {  	_ =	shalt  }
0x4d: {  	_ =	shalt  }
0x4e: {  	_ =	shalt  }
0x4f: {  	_ =	shalt  }
0x50: {  	_ =	shalt  }
0x51: {  	_ =	shalt  }
0x52: {  	_ =	shalt  }
0x53: {  	_ =	shalt  }
0x54: {  	_ =	shalt  }
0x55: {  	_ =	shalt  }
0x56: {  	_ =	shalt  }
0x57: {  	_ =	shalt  }
0x58: {  	_ =	shalt  }
0x59: {  	_ =	shalt  }
0x5a: {  	_ =	shalt  }
0x5b: {  	_ =	shalt  }
0x5c: {  	_ =	shalt  }
0x5d: {  	_ =	shalt  }
0x5e: {  	_ =	shalt  }
0x5f: {  	_ =	shalt  }
0x60: {  	_ =	shalt  }
0x61: {  	_ =	shalt  }
0x62: {  	_ =	shalt  }
0x63: {  	_ =	shalt  }
0x64: {  	_ =	shalt  }
0x65: {  	_ =	shalt  }
0x66: {  	_ =	shalt  }
0x67: {  	_ =	shalt  }
0x68: {  	_ =	shalt  }
0x69: {  	_ =	shalt  }
0x6a: {  	_ =	shalt  }
0x6b: {  	_ =	shalt  }
0x6c: {  	_ =	shalt  }
0x6d: {  	_ =	shalt  }
0x6e: {  	_ =	shalt  }
0x6f: {  	_ =	shalt  }
0x70: {  	_ =	shalt  }
0x71: {  	_ =	shalt  }
0x72: {  	_ =	shalt  }
0x73: {  	_ =	shalt  }
0x74: {  	_ =	shalt  }
0x75: {  	_ =	shalt  }
0x76: {  	_ =	shalt  }
0x77: {  	_ =	shalt  }
0x78: {  	_ =	shalt  }
0x79: {  	_ =	shalt  }
0x7a: {  	_ =	shalt  }
0x7b: {  	_ =	shalt  }
0x7c: {  	_ =	shalt  }
0x7d: {  	_ =	shalt  }
0x7e: {  	_ =	shalt  }
0x7f: {  	_ =	shalt  }
0x80: {  	_ =	shalt  }
0x81: {  	_ =	shalt  }
0x82: {  	_ =	shalt  }
0x83: {  	_ =	shalt  }
0x84: {  	_ =	shalt  }
0x85: {  	_ =	shalt  }
0x86: {  	_ =	shalt  }
0x87: {  	_ =	shalt  }
.Lfunc_end0:
.L_simem_size_0:
called_computation_lowered:
.L_overlay_start_0:
0x88: {  	s2 =	sld [smem:$0x3FD9]  }
0x89: {  	s3 =	sld [smem:$0x3FFE];
	_ =	sdelay $0x1  }
0x8a: {  	s1 =	srdreg.scid  }
0x8b: {  	s0 =	sand.u32 $0x1, s1  }
0x8c: {  	s17 =	sshll.u32 s0, $0xA;
	s2 =	sadd.s32 s3, s2  }
0x8d: {  	s2 =	sadd.s32 s2, s17  }
0x8e: {  	[smem:$0x3FC2] =	sst s2  }
0x8f: {  	_ = 	snop  }
0x90: {  	s2 =	sld [smem:$0x3FC9]  }
0x91: {  	s18 =	sld [smem:$0x3FD0];
	(tm) =	ssettm $0x1  }
0x92: {  	s4 =	sld [smem:$0x3FFB];
	_ =	sdelay $0x3  }
0x93: {  	_ =	strace s4  }
0x94: {  	s4 =	sld [smem:$0x3FFC];
	_ =	sdelay $0x3  }
0x95: {  	_ =	strace s4  }
0x96: {  	s4 =	sld [smem:$0x3FFD];
	_ =	sdelay $0x3  }
0x97: {  	_ =	strace s4  }
0x98: {  	_ =	strace $0x8FFFFFFF  }
0x99: {  	s19 =	sld [smem:$0x3FDB];
	_ =	sdelay $0x1  }
0x9a: {  	s5 =	simm.s32 $_scs_section_size  }
0x9b: {  	s6 =	simm.s32 $_size__tile_overlayer_lowered;
	s7 =	simm.s32 $_tile_overlayer_lowered  }
0x9c: {  	s22 =	simm.s32 $0x1BFF;
	s21 =	sshll.u32 s7, $0x1;
	s4 =	sadd.s32 s5, s19  }
0x9d: {  	s8 =	simm.s32 $0x0;
	s20 =	sshll.u32 s6, $0x1;
	s6 =	sadd.s32 s21, s4  }
0x9e: {  	[timem:s8], [sflag:s22] =	dma.local [hbm:s6], s20  }
0x9f: {  	_ =	swait.ge [sflag:s22], s20  }
0xa0: {  	s5 =	ssub.s32 $0x0, s20;
	[sflag:s22] =	ssyncset.done $0x0  }
0xa1: {  	[sflag:s22] =	ssyncadd.s32 s5;
	_ =	sdelay $0x1  }
0xa2: {  	s23 =	simm.s32 $0x1B8B  }
0xa3: {  	_ =	swait.ge [sflag:s23], $0x1  }
0xa4: {  	[sflag:s23] =	ssyncset.done $0x0  }
0xa5: {  	s25 =	simm.s32 $0x1B8E;
	s24 =	sld [smem:$0x3FFE];
	[sflag:s23] =	ssyncadd.s32 $0xFFFFFFFF  }
0xa6: {  	s26 =	simm.s32 $execute0_lowered;
	[smem:$0x3FD2] =	sst s25  }
0xa7: {  	s6 =	sshll.u32 s26, $0x1;
	_ =	strace $0x80000046;
	[dreg:$0x1] =	wrdreg $0xFFFFFFFF  }
0xa8: {  	s28 =	simm.s32 $_size_execute0_lowered;
	s4 =	sadd.s32 s4, s6;
	[dreg:$0x0] =	wrdreg $0x0  }
0xa9: {  	s6 =	sshll.u32 s28, $0x1;
	[dreg:$0x2] =	wrdreg s4  }
0xaa: {  	[dreg:$0x3] =	wrdreg s6  }
0xab: {  	[dreg:$0x4] =	wrdreg $0xC0  }
0xac: {  	_ =	task [dreg:s8], $0x5FFFF  }
0xad: {  	[dreg:$0x1] =	wrdreg $0xFFFFFFFF  }
0xae: {  	[dreg:$0x0] =	wrdreg $0x60  }
0xaf: {  	[dreg:$0x2] =	wrdreg s2  }
0xb0: {  	[dreg:$0x3] =	wrdreg s18  }
0xb1: {  	[dreg:$0x4] =	wrdreg s24  }
0xb2: {  	[dreg:$0x5] =	wrdreg $0x9E200  }
0xb3: {  	[dreg:$0x6] =	wrdreg $0x9  }
0xb4: {  	_ =	task.clear_ibuf [dreg:s8], $0x7FFFF;
	_ =	strace $0x90000046  }
0xb5: {  	s29 =	simm.s32 $0x9;
	_ =	strace $0x80000048  }
0xb6: {  	_ =	swait.ge [sflag:s29], $0x1  }
0xb7: {  	[sflag:s29] =	ssyncadd.s32 $0xFFFFFFFF  }
0xb8: {  	_ =	strace $0x90000048  }
0xb9: {  	_ =	sfence  }
0xba: {  	s30 =	sld [smem:$0x0];
	_ =	sdelay $0x2  }
0xbb: {  	s31 =	sshll.u32 s1, $0xD;
	s1 =	sshrl.u32 s1, $0x2  }
0xbc: {  	s3 =	sand.u32 $0x4000, s31;
	s1 =	sadd.s32 s1, s30  }
0xbd: {  	s0 =	sor.u32 s3, s0;
	s1 =	sshll.u32 s1, $0x11  }
0xbe: {  	s0 =	sor.u32 s1, s0  }
0xbf: {  	s0 =	sadd.s32 $0x8F2B, s0  }
0xc0: {  	[sflag:s0] =	ssyncadd.remote.s32 $0x1  }
0xc1: {  	_ =	sfence.sel $0xFFFF  }
0xc2: {  	[dreg:$0x0] =	wrdreg $0xFFFFFFFF;
	(pc) =	sbr.abs _section_cstart, $3  }
0xc3: {  	[dreg:$0x1] =	wrdreg $0xFFFFFFFF  }
0xc4: {  	_ =	task.clear_ibuf [dreg:s8], $0x2FFFF;
	_ =	strace $0x9FFFFFFF  }
0xc5: {  	(tm) =	ssettm $0x7FFFFFFF  }
tec
execute0_lowered:
.L_overlay_start_1:
0x0: {  	(tag) =	ssettag $0x1  }
0x1: {  	s1 =	rddreg [dreg:$0x0]  }
0x2: {  	s0 =	rddreg [dreg:$0x1]  }
0x3: {  	s4 =	rddreg [dreg:$0x2]  }
0x4: {  	s2 =	rddreg [dreg:$0x3]  }
0x5: {  	s3 =	simm.s32 $0x0;
	s5 =	srdreg.scid;
	s21 =	stileid.u32  }
0x6: {  	s28 =	simm.s32 $0x1;
	s29 =	simm.s32 $0x2;
	s31 =	simm.s32 $0x0  }
0x7: {  	[smem:$0x7FF] =	sst s3;
	s14 =	sand.u32 $0x1, s5;
	s8 =	smul.u32 $0x4E000, s21  }
0x8: {  	s5 =	sadd.s32 $0xE00, s4;
	s4 =	sadd.s32 $0x3600, s4;
	s11 =	smul.u32 $0x13800, s21  }
0x9: {  	s9 =	sadd.s32 $0x27000, s1;
	p3 =	sne.s32 s21, $0xF;
	_ =	strace $0x80000047  }
0xa: {  	s6 =	ssub.s32 $0x2, s14;
	s23 =	sshll.u32 s14, $0x4;
	s12 =	smul.u32 $0x138800, s14  }
0xb: {  	p0 =	sne.s32 s14, $0x0;
	s7 =	sshrl.u32 s6, $0x1;
	s24 =	sor.u32 s21, s23  }
0xc: {  	s25 =	sshrl.u32 s8, $0x2;
	s26 =	sshrl.u32 s11, $0x3;
	p1 =	sne.s32 @p0 s21, $0xF  }
0xd: {  	p2 =	sne.s32 @!p0 s21, $0xF;
	s23 =	simm.s32 $0x50;
	s15 =	ssub.s32 s6, s7  }
0xe: {  	s16 =	sadd.s32 s25, s2;
	s6 =	sadd.s32 $0x138000, s2;
	s10 =	smul.u32 $0x2710, s24  }
0xf: {  	s7 =	sadd.s32 s11, s2;
	s8 =	sadd.s32 s1, s26;
	s30 =	sadd.s32 s11, s12  }
0x10: {  	s12 =	sshrl.u32 s12, $0x3;
	p1 =	por p1, !p0;
	p2 =	por p2, p0  }
0x11: {  	s24 =	simm.s32 $0x4E20;
	s25 =	simm.s32 $0x3;
	s26 =	simm.s32 $0x7620  }
0x12: {  	[dreg:$0x5] =	wrdreg s8;
	s13 =	sadd.s32 s4, s12;
	s14 =	smax.u32 s15, $0x1  }
0x13: {  	s16 =	sshrl.u32 @p0 s16, $0x3;
	s17 =	sshrl.u32 @!p1 s6, $0x3;
	s10 =	sshrl.u32 s10, $0x3  }
0x14: {  	s19 =	sshrl.u32 @!p0 s7, $0x3;
	s10 =	sadd.s32 s0, s10;
	s0 =	sshrl.u32 s30, $0x3  }
0x15: {  	s20 =	sshrl.u32 @!p2 s6, $0x3;
	s12 =	sadd.s32 s4, s0;
	s0 =	sshll.u32 @p0 s21, $0x6  }
0x16: {  	s13 =	sadd.s32 $0x27000, s13;
	s15 =	sor.u32 @p0 $0x1C03, s0;
	s0 =	sshll.u32 @!p0 s21, $0x6  }
0x17: {  	s11 =	sadd.s32 $0x9C40, s10;
	s21 =	simm.s32 $0x4;
	s18 =	sor.u32 @!p0 $0x1C03, s0  }
.LBB2_1:
0x18: {  	[spmem:s16], [sflag:s15] =	dma.local @p0 [hbm:s5], $0x2700  }
0x19: {  	[spmem:s17], [sflag:s15] =	dma.local @!p1 [hbm:s5], $0x100  }
0x1a: {  	s0 =	rddreg [dreg:$0x5]  }
0x1b: {  	[spmem:s19], [sflag:s18] =	dma.local @!p0 [hbm:s0], $0x2700  }
0x1c: {  	[spmem:s20], [sflag:s18] =	dma.local @!p2 [hbm:s9], $0x100  }
0x1d: {  	[tilespmem:s3], [sflag:$0x4] =	stream.linear.gather [hbm4b:s10+s3], $0x2710, $0x38;
	[tilespmem:$0x1D6A0] =	vst v63  }
0x1e: {  	_ =	swait.ge [sflag:s21], $0x2710  }
0x1f: {  	[sflag:s21] =	ssyncset.done $0x0  }
0x20: {  	s30 =	simm.s32 $0x2710;
	[sflag:s21] =	ssyncadd.s32 $0xFFFFD8F0  }
0x21: {  	[tilespmem:s30], [sflag:$0x4] =	stream.linear.gather [hbm4b:s11+s3], $0x2710, $0x38;
	[tilespmem:$0x1D6A0] =	vst v63  }
0x22: {  	_ =	swait.ge [sflag:s21], $0x2710  }
0x23: {  	[sflag:s21] =	ssyncset.done $0x0  }
0x24: {  	[sflag:s21] =	ssyncadd.s32 $0xFFFFD8F0  }
0x25: {  	[tilespmem:s24], [sflag:$0x1] =	stream.indirect.gather [hbm4b:s1+s23], $0x80, s3, s23, $0xb8;
	[tilespmem:$0x1D6A0] =	vst v63  }
0x26: {  	_ =	swait.ge [sflag:s25], $0x2700  }
0x27: {  	[sflag:s25] =	ssyncset.done $0x0  }
0x28: {  	s0 =	simm.s32 @!p3 $0x3;
	[sflag:s25] =	ssyncadd.s32 $0xFFFFD900  }
0x29: {  	_ =	swait.ge @!p3 [sflag:s0], $0x100  }
0x2a: {  	[sflag:s0] =	ssyncset.done @!p3 $0x0  }
0x2b: {  	[sflag:s0] =	ssyncadd.s32 @!p3 $0xFFFFFF00  }
0x2c: {  	s4 =	simm.s32 $0x50;
	[bflag:$0x0] =	sbarrier.arrive $0xFFFF  }
0x2d: {  	[tilespmem:s26], [sflag:$0x2] =	stream.indirect.gather [hbm4b:s1+s23], $0x80, s4, s23, $0xb8;
	[tilespmem:$0x1D6A0] =	vst v63  }
0x2e: {  	_ =	swait.ge [sflag:s28], $0x2800  }
0x2f: {  	[sflag:s28] =	ssyncset.done $0x0  }
0x30: {  	s8 =	simm.s32 $0x2710;
	[sflag:s28] =	ssyncadd.s32 $0xFFFFD800  }
0x31: {  	[spmem:s2] =	stream.indirect.scatter.add.f32 [tilespmem:s24], [sflag:$0x4], $0x80, s8, s23, $0xb8;
	[tilespmem:$0x1D6A0] =	vst v63  }
0x32: {  	_ =	swait.ge [sflag:s21], $0x2800  }
0x33: {  	[sflag:s21] =	ssyncset.done $0x0  }
0x34: {  	s22 =	simm.s32 $0xA0;
	[sflag:s21] =	ssyncadd.s32 $0xFFFFD800  }
0x35: {  	[tilespmem:s24], [sflag:$0x1] =	stream.indirect.gather [hbm4b:s1+s23], $0x80, s22, s23, $0xb8;
	[tilespmem:$0x1D6A0] =	vst v63  }
0x36: {  	_ =	swait.ge [sflag:s29], $0x2800  }
0x37: {  	[sflag:s29] =	ssyncset.done $0x0  }
0x38: {  	s30 =	simm.s32 $0x2760;
	[sflag:s29] =	ssyncadd.s32 $0xFFFFD800  }
0x39: {  	[spmem:s2] =	stream.indirect.scatter.add.f32 [tilespmem:s26], [sflag:$0x4], $0x80, s30, s23, $0xb8;
	[tilespmem:$0x1D6A0] =	vst v63  }
0x3a: {  	_ =	swait.ge [sflag:s21], $0x2800  }
0x3b: {  	s0 =	simm.s32 $0xA0;
	s4 =	simm.s32 $0x500;
	[sflag:s21] =	ssyncset.done $0x0  }
.LBB2_2:
0x3c: {  	s22 =	sadd.s32 $0x50, s0  }
0x3d: {  	[sflag:s21] =	ssyncadd.s32 $0xFFFFD800;
	s30 =	smov.u32 s4;
	s8 =	sadd.s32 $0x280, s4  }
0x3e: {  	[tilespmem:s26], [sflag:$0x2] =	stream.indirect.gather [hbm4b:s1+s23], $0x80, s22, s23, $0xb8;
	[tilespmem:$0x1D6A0] =	vst v63  }
0x3f: {  	p4 =	sne.s32 s4, $0x9880;
	_ =	swait.ge [sflag:s28], $0x2800  }
0x40: {  	[sflag:s28] =	ssyncset.done $0x0  }
0x41: {  	s4 =	sadd.s32 $0x2710, s0;
	[sflag:s28] =	ssyncadd.s32 $0xFFFFD800  }
0x42: {  	[spmem:s2] =	stream.indirect.scatter.add.f32 [tilespmem:s24], [sflag:$0x4], $0x80, s4, s23, $0xb8;
	[tilespmem:$0x1D6A0] =	vst v63  }
0x43: {  	_ =	swait.ge [sflag:s21], $0x2800  }
0x44: {  	[sflag:s21] =	ssyncset.done $0x0  }
0x45: {  	s4 =	sadd.s32 $0xA0, s0;
	[sflag:s21] =	ssyncadd.s32 $0xFFFFD800  }
0x46: {  	[tilespmem:s24], [sflag:$0x1] =	stream.indirect.gather [hbm4b:s1+s23], $0x80, s4, s23, $0xb8;
	[tilespmem:$0x1D6A0] =	vst v63  }
0x47: {  	_ =	swait.ge [sflag:s29], $0x2800  }
.Ltmp0:
0x48: {  	[sflag:s29] =	ssyncset.done $0x0;
	(pc) =	sbr.rel @p4 .LBB2_2-.Ltmp0, $4  }
0x49: {  	s0 =	sadd.s32 $0x2760, s0;
	[sflag:s29] =	ssyncadd.s32 $0xFFFFD800  }
0x4a: {  	[spmem:s2] =	stream.indirect.scatter.add.f32 [tilespmem:s26], [sflag:$0x4], $0x80, s0, s23, $0xb8;
	[tilespmem:$0x1D6A0] =	vst v63  }
0x4b: {  	_ =	swait.ge [sflag:s21], $0x2800  }
0x4c: {  	s4 =	smov.u32 s8;
	s0 =	sshra.s32 s30, $0x2;
	[sflag:s21] =	ssyncset.done $0x0  }
0x4d: {  	s4 =	sadd.s32 $0x50, s0;
	[sflag:s21] =	ssyncadd.s32 $0xFFFFD800  }
0x4e: {  	[tilespmem:s26], [sflag:$0x2] =	stream.indirect.gather [hbm4b:s1+s23], $0x80, s4, s23, $0xb8;
	[tilespmem:$0x1D6A0] =	vst v63  }
0x4f: {  	_ =	swait.ge [sflag:s28], $0x2800  }
0x50: {  	[sflag:s28] =	ssyncset.done $0x0  }
0x51: {  	s22 =	sadd.s32 $0x2710, s0;
	[sflag:s28] =	ssyncadd.s32 $0xFFFFD800  }
0x52: {  	[spmem:s2] =	stream.indirect.scatter.add.f32 [tilespmem:s24], [sflag:$0x4], $0x80, s22, s23, $0xb8;
	[tilespmem:$0x1D6A0] =	vst v63  }
0x53: {  	_ =	swait.ge [sflag:s21], $0x2800  }
0x54: {  	[sflag:s21] =	ssyncset.done $0x0  }
0x55: {  	s30 =	sadd.s32 $0xA0, s0;
	[sflag:s21] =	ssyncadd.s32 $0xFFFFD800  }
0x56: {  	[tilespmem:s24], [sflag:$0x1] =	stream.indirect.gather [hbm4b:s1+s23], $0x80, s30, s23, $0xb8;
	[tilespmem:$0x1D6A0] =	vst v63  }
0x57: {  	_ =	swait.ge [sflag:s29], $0x2800  }
0x58: {  	[sflag:s29] =	ssyncset.done $0x0  }
0x59: {  	s4 =	sadd.s32 $0x2760, s0;
	[sflag:s29] =	ssyncadd.s32 $0xFFFFD800  }
0x5a: {  	[spmem:s2] =	stream.indirect.scatter.add.f32 [tilespmem:s26], [sflag:$0x4], $0x80, s4, s23, $0xb8;
	[tilespmem:$0x1D6A0] =	vst v63  }
0x5b: {  	_ =	swait.ge [sflag:s21], $0x2800  }
0x5c: {  	[sflag:s21] =	ssyncset.done $0x0  }
0x5d: {  	[sflag:s21] =	ssyncadd.s32 $0xFFFFD800  }
0x5e: {  	_ =	swait.ge [sflag:s28], $0x2800  }
0x5f: {  	[sflag:s28] =	ssyncset.done $0x0  }
0x60: {  	s8 =	simm.s32 $0x4DD0;
	[sflag:s28] =	ssyncadd.s32 $0xFFFFD800  }
0x61: {  	[spmem:s2] =	stream.indirect.scatter.add.f32 [tilespmem:s24], [sflag:$0x4], $0x80, s8, s23, $0xb8;
	[tilespmem:$0x1D6A0] =	vst v63  }
0x62: {  	_ =	swait.ge [sflag:s21], $0x2800  }
0x63: {  	s22 =	stileid.u32;
	[sflag:s21] =	ssyncset.done $0x0  }
0x64: {  	s0 =	sshll.u32 s22, $0x6;
	[sflag:s21] =	ssyncadd.s32 $0xFFFFD800  }
0x65: {  	s0 =	sor.u32 $0x1C04, s0;
	s30 =	sshrl.u32 s7, $0x3;
	[bflag:$0x0] =	sbarrier.arrive $0xFFFF  }
0x66: {  	[hbm:s12], [sflag:s0] =	dma.local [spmem:s30], $0x2700  }
0x67: {  	_ =	swait.ge [sflag:s21], $0x2700  }
0x68: {  	s31 =	sadd.s32 $0x1, s31;
	[sflag:s21] =	ssyncset.done $0x0  }
0x69: {  	p4 =	sne.s32 s31, s14;
	s4 =	sshrl.u32 @!p3 s6, $0x3;
	[sflag:s21] =	ssyncadd.s32 $0xFFFFD900  }
0x6a: {  	[hbm:s13], [sflag:s0] =	dma.local @!p3 [spmem:s4], $0x100  }
.Ltmp1:
0x6b: {  	_ = 	snop;
	(pc) =	sbr.rel @p4 .LBB2_1-.Ltmp1, $4  }
0x6c: {  	s0 =	simm.s32 @!p3 $0x4  }
0x6d: {  	_ =	swait.ge @!p3 [sflag:s0], $0x100  }
0x6e: {  	[sflag:s0] =	ssyncset.done @!p3 $0x0  }
0x6f: {  	[sflag:s0] =	ssyncadd.s32 @!p3 $0xFFFFFF00  }
0x70: {  	_ =	sfence.sel $0x180000  }
0x71: {  	[bflag:$0x0] =	sbarrier.arrive $0xFFFF  }
0x72: {  	_ =	strace $0x90000047  }
0x73: {  	s0 =	stileid.u32;
	[bflag:$0x2] =	sbarrier.arrive $0xFFFF  }
0x74: {  	p0 =	sne.s32 s0, $0x0;
	s0 =	rddreg [dreg:$0x4]  }
0x75: {  	s0 =	sadd.s32 @!p0 $0x100000, s0  }
0x76: {  	[sflag:s0] =	ssyncadd.tile.s32 @!p0 $0x1;
	_ =	shalt  }
.Lfunc_end2:
_tile_overlayer_lowered:
.L_overlay_start_2:
0x77: {  	(tag) =	ssettag $0x2  }
0x78: {  	s0 =	rddreg [dreg:$0x0];
	s2 =	stileid.u32  }
0x79: {  	s1 =	rddreg [dreg:$0x1];
	p0 =	sne.s32 s2, $0x0  }
0x7a: {  	s3 =	rddreg [dreg:$0x2];
	[bflag:$0x3] =	sbarrier.arrive $0xFFFF;
	s2 =	simm.s32 @!p0 $0x1C04  }
0x7b: {  	[timem:s3], [sflag:s2] =	dma.local @!p0 [hbm:s0], s1  }
0x7c: {  	s0 =	simm.s32 @!p0 $0x4  }
0x7d: {  	_ =	swait.ge @!p0 [sflag:s0], s1  }
0x7e: {  	s1 =	ssub.s32 @!p0 $0x0, s1;
	[sflag:s0] =	ssyncset.done @!p0 $0x0  }
0x7f: {  	[sflag:s0] =	ssyncadd.s32 @!p0 s1  }
0x80: {  	[bflag:$0x3] =	sbarrier.arrive $0xFFFF  }
0x81: {  	_ =	shalt  }

</sc_bundles>
